<compile_context>
chip_gen: v7x
topology: tpu7x:2x2x1
jax: 0.10.2.dev20260603
libtpu: 0.0.44.dev20260713+nightly
codegen_flags: <defaults>
</compile_context>

<pallas_src>
import functools

import jax
import jax.numpy as jnp
from jax import lax
from jax.experimental import pallas as pl
from jax.experimental.pallas import tpu as pltpu
from jax.experimental.pallas import tpu_sc as plsc

_N, _D, _E = 10000, 128, 320000
_NTILES = 32
_EPT = _E // _NTILES
_C = 80
_NCHUNK = _EPT // _C
_RPT = 624
_REM = _N - 16 * _RPT
_BLK = 2000


def _prep_body(x_ref, v_ref, c_ref, s1_ref, s2_ref, half_ref):
    xb = x_ref[...]
    s = jnp.dot(xb, v_ref[...], preferred_element_type=jnp.float32)
    s1 = s[:, 0:1] + c_ref[0, 0]
    s2 = s[:, 1:2] + c_ref[0, 1]
    z = s1 + s2
    att = jnp.maximum(z, 0.2 * z)
    s1_ref[...] = s1
    s2_ref[...] = s2
    half_ref[...] = (0.5 * att) * xb


_prep = pl.pallas_call(
    _prep_body,
    grid=(_N // _BLK,),
    in_specs=[
        pl.BlockSpec((_BLK, _D), lambda i: (i, 0)),
        pl.BlockSpec((_D, 2), lambda i: (0, 0)),
        pl.BlockSpec((1, 2), lambda i: (0, 0)),
    ],
    out_specs=[
        pl.BlockSpec((_BLK, 1), lambda i: (i, 0)),
        pl.BlockSpec((_BLK, 1), lambda i: (i, 0)),
        pl.BlockSpec((_BLK, _D), lambda i: (i, 0)),
    ],
    out_shape=[
        jax.ShapeDtypeStruct((_N, 1), jnp.float32),
        jax.ShapeDtypeStruct((_N, 1), jnp.float32),
        jax.ShapeDtypeStruct((_N, _D), jnp.float32),
    ],
)


_mesh = plsc.VectorSubcoreMesh(core_axis_name="c", subcore_axis_name="s")


@functools.partial(
    pl.kernel,
    mesh=_mesh,
    out_type=jax.ShapeDtypeStruct((2, _N, _D), jnp.float32),
    compiler_params=pltpu.CompilerParams(needs_layout_passes=False),
    scratch_types=[
        pltpu.VMEM((_NCHUNK, _C), jnp.int32),
        pltpu.VMEM((_NCHUNK, _C), jnp.int32),
        pltpu.VMEM((_C,), jnp.float32),
        pltpu.VMEM((_C,), jnp.float32),
        pltpu.VMEM((_C + 16,), jnp.float32),
        pltpu.VMEM((_C, _D), jnp.float32),
        pltpu.VMEM_SHARED((_N, _D), jnp.float32),
        pltpu.SemaphoreType.DMA,
    ],
)
def _edge_kernel(x_hbm, edges_hbm, s1_hbm, s2_hbm, half_hbm, out_hbm,
                 src_v, obj_v, g1_v, g2_v, att_v, rows_v, acc, sem):
    cid = lax.axis_index("c")
    sid = lax.axis_index("s")
    wid = sid * 2 + cid
    pltpu.sync_copy(edges_hbm.at[0, wid], src_v)
    pltpu.sync_copy(edges_hbm.at[1, wid], obj_v)
    pltpu.sync_copy(half_hbm.at[pl.ds(sid * _RPT, _RPT)],
                    acc.at[pl.ds(sid * _RPT, _RPT)])

    @pl.when(sid == 0)
    def _():
        pltpu.sync_copy(half_hbm.at[pl.ds(16 * _RPT, _REM)],
                        acc.at[pl.ds(16 * _RPT, _REM)])

    plsc.subcore_barrier()

    def chunk_body(j, carry):
        cp1 = pltpu.async_copy(s1_hbm.at[src_v.at[j]], g1_v, sem)
        cp2 = pltpu.async_copy(s2_hbm.at[obj_v.at[j]], g2_v, sem)
        cp3 = pltpu.async_copy(x_hbm.at[obj_v.at[j]], rows_v, sem)
        cp1.wait()
        cp2.wait()
        for k in range(_C // 16):
            z = g1_v[pl.ds(k * 16, 16)] + g2_v[pl.ds(k * 16, 16)]
            att_v[pl.ds(k * 16, 16)] = jnp.maximum(z, 0.2 * z)
        cp3.wait()

        def row_body(i, c2):
            a = att_v[pl.ds(i, 16)][0]
            for q in range(_D // 16):
                rows_v[i, pl.ds(q * 16, 16)] = a * rows_v[i, pl.ds(q * 16, 16)]
            return c2

        lax.fori_loop(0, _C, row_body, 0)
        pltpu.sync_copy(rows_v, acc.at[src_v.at[j]], add=True)
        return carry

    lax.fori_loop(0, _NCHUNK, chunk_body, 0)
    plsc.subcore_barrier()
    pltpu.sync_copy(acc.at[pl.ds(sid * _RPT, _RPT)],
                    out_hbm.at[cid, pl.ds(sid * _RPT, _RPT)])

    @pl.when(sid == 0)
    def _():
        pltpu.sync_copy(acc.at[pl.ds(16 * _RPT, _REM)],
                        out_hbm.at[cid, pl.ds(16 * _RPT, _REM)])


def _combine_body(p_ref, o_ref):
    o_ref[...] = p_ref[0] + p_ref[1]


_combine = pl.pallas_call(
    _combine_body,
    grid=(_N // _BLK,),
    in_specs=[pl.BlockSpec((2, _BLK, _D), lambda i: (0, i, 0))],
    out_specs=pl.BlockSpec((_BLK, _D), lambda i: (i, 0)),
    out_shape=jax.ShapeDtypeStruct((_N, _D), jnp.float32),
)


def kernel(x, edge_index, W, b_w, a_w, a_b):
    n, d = x.shape
    a1 = a_w[0, :d]
    a2 = a_w[0, d:]
    v = jnp.stack([W.T @ a1, W.T @ a2], axis=1)
    c = jnp.stack([b_w @ a1 + a_b[0], b_w @ a2]).reshape(1, 2)
    s1_2d, s2_2d, half = _prep(x, v, c)
    s1 = s1_2d.reshape(n)
    s2 = s2_2d.reshape(n)
    edges_r = edge_index.reshape(2, _NTILES, _NCHUNK, _C)
    partial = _edge_kernel(x, edges_r, s1, s2, half)
    return _combine(partial)

# --- scband reference (transcript-rebuilt; emitter-appended) ---
"""Pipeline reference for scband-gah-13769665151470 (READ-ONLY COPY).

The authoritative reference and input builder live on the scoring server;
editing this copy changes nothing except your own understanding.
"""

import jax, jax.numpy as jnp
import numpy as np

N, D, E = 10000, 128, 320000

def setup_inputs(seed: int = 0) -> dict:
    key = jax.random.key(seed)
    k1, k2, k3, k4, k5 = jax.random.split(key, 5)
    x = jax.random.normal(k1, (N, D), dtype=jnp.float32)
    edge_index = jax.random.randint(k2, (2, E), 0, N, dtype=jnp.int32)
    # Parameters of GAH(emb_size=128): self.w = Linear(D, D); self.a = Linear(2D, 1)
    W = jax.random.normal(k3, (D, D), dtype=jnp.float32) * 0.05
    b_w = jnp.zeros((D,), dtype=jnp.float32)
    a_w = jax.random.normal(k4, (1, 2 * D), dtype=jnp.float32) * 0.05
    a_b = jnp.zeros((1,), dtype=jnp.float32)
    return {"x": x, "edge_index": edge_index, "W": W, "b_w": b_w, "a_w": a_w, "a_b": a_b}

def reference(x, edge_index, W, b_w, a_w, a_b):
    # Vectorized form of GAH.forward over all center nodes simultaneously.
    # Original per-node math: h = f[x]; nb = [h] + [f[o] for (x,_,o) in g];
    #   wh = w(h) repeated; at = leaky_relu(a(cat[wh, w(nb)]), 0.2); out = sum(at * nb)
    Wh = x @ W.T + b_w  # w(h) for every node, [N, D]
    src = edge_index[0]  # center node (subject) per edge
    obj = edge_index[1]  # neighbor node (object) per edge
    # Self term: neighbor list always includes h itself
    cat_self = jnp.concatenate([Wh, Wh], axis=1)  # [N, 2D]
    att_self = jax.nn.leaky_relu(cat_self @ a_w.T + a_b, 0.2)  # [N, 1]
    out = att_self * x  # attention multiplies the RAW neighbor features (nb), not w(nb)
    # Edge terms: for edge (s, o), score = leaky_relu(a([w(h_s), w(h_o)])), msg = score * f[o]
    cat_e = jnp.concatenate([Wh[src], Wh[obj]], axis=1)  # [E, 2D] (two gathers)
    att_e = jax.nn.leaky_relu(cat_e @ a_w.T + a_b, 0.2)  # [E, 1]
    msg = att_e * x[obj]  # [E, D] (gather)
    out = out + jax.ops.segment_sum(msg, src, num_segments=N)  # scatter-add
    return out

if __name__ == "__main__":
    import jax
    _d = setup_inputs()
    print(jax.jit(kernel)(*tuple(_d.values())))

</pallas_src>

<mosaic_0001>
#map = affine_map<(d0, d1) -> (0, 0)>
#map1 = affine_map<(d0, d1) -> (0, 0, 0, 0)>
#map2 = affine_map<(d0, d1) -> (0)>
#map3 = affine_map<(d0, d1) -> (0, 0, 0)>
module attributes {stable_mosaic.version = 14 : i64} {
  func.func @_edge_kernel(%arg0: i32, %arg1: i32, %arg2: memref<10000x128xf32, #tpu.memory_space<hbm>>, %arg3: memref<2x32x125x80xi32, #tpu.memory_space<hbm>>, %arg4: memref<10000xf32, #tpu.memory_space<hbm>>, %arg5: memref<10000xf32, #tpu.memory_space<hbm>>, %arg6: memref<10000x128xf32, #tpu.memory_space<hbm>>, %arg7: memref<2x10000x128xf32, #tpu.memory_space<hbm>>, %arg8: memref<125x80xi32, #tpu.memory_space<vmem>>, %arg9: memref<125x80xi32, #tpu.memory_space<vmem>>, %arg10: memref<80xf32, #tpu.memory_space<vmem>>, %arg11: memref<80xf32, #tpu.memory_space<vmem>>, %arg12: memref<96xf32, #tpu.memory_space<vmem>>, %arg13: memref<80x128xf32, #tpu.memory_space<vmem>>, %arg14: memref<10000x128xf32, #tpu.memory_space<vmem_shared>>, %arg15: memref<!tpu.dma_semaphore, #tpu.memory_space<semaphore_mem>>) attributes {dimension_semantics = [#tpu.dimension_semantics<core_parallel>, #tpu.dimension_semantics<subcore_parallel>], iteration_bounds = array<i64: 2, 16>, scalar_prefetch = 0 : i64, scratch_operands = 8 : i64, tpu.core_type = #tpu.core_type<sc_vector_subcore>, window_params = [{transform_indices = #map}, {transform_indices = #map1}, {transform_indices = #map2}, {transform_indices = #map2}, {transform_indices = #map}, {transform_indices = #map3}]} {
    %mul3A = arith.constant 2 : i32
    %mul3A_0 = arith.muli %arg1, %mul3A : i32
    %add3A = arith.addi %mul3A_0, %arg0 : i32
    %run_scoped3A = arith.constant 0 : i32
    "tpu.region"() ({
      %run_scoped3A_23 = tpu.sem_alloc : memref<!tpu.dma_semaphore, #tpu.memory_space<semaphore_mem>>
      %dma_start3A = arith.constant 0 : i32
      %dma_start3A_24 = arith.constant 0 : i32
      %dma_start3A_25 = tpu.memref_slice %arg3[%run_scoped3A, %add3A, %dma_start3A, %dma_start3A_24] : memref<2x32x125x80xi32, #tpu.memory_space<hbm>> -> memref<1x1x125x80xi32, #tpu.memory_space<hbm>>
      %dma_start3A_26 = tpu.memref_squeeze %dma_start3A_25 : memref<1x1x125x80xi32, #tpu.memory_space<hbm>> -> memref<125x80xi32, #tpu.memory_space<hbm>>
      %dma_start3A_27 = arith.constant 0 : i32
      %dma_start3A_28 = arith.constant 0 : i32
      %dma_start3A_29 = tpu.memref_slice %arg3[%run_scoped3A, %add3A, %dma_start3A_27, %dma_start3A_28] : memref<2x32x125x80xi32, #tpu.memory_space<hbm>> -> memref<1x1x125x80xi32, #tpu.memory_space<hbm>>
      %dma_start3A_30 = tpu.memref_squeeze %dma_start3A_29 : memref<1x1x125x80xi32, #tpu.memory_space<hbm>> -> memref<125x80xi32, #tpu.memory_space<hbm>>
      tpu.enqueue_dma source(%dma_start3A_30 : memref<125x80xi32, #tpu.memory_space<hbm>>) target(%arg8 : memref<125x80xi32, #tpu.memory_space<vmem>>) target_semaphore(%run_scoped3A_23 : memref<!tpu.dma_semaphore, #tpu.memory_space<semaphore_mem>>)
      %dma_wait3A = arith.constant 0 : i32
      %dma_wait3A_31 = arith.constant 0 : i32
      %dma_wait3A_32 = tpu.memref_slice %arg3[%run_scoped3A, %add3A, %dma_wait3A, %dma_wait3A_31] : memref<2x32x125x80xi32, #tpu.memory_space<hbm>> -> memref<1x1x125x80xi32, #tpu.memory_space<hbm>>
      %dma_wait3A_33 = tpu.memref_squeeze %dma_wait3A_32 : memref<1x1x125x80xi32, #tpu.memory_space<hbm>> -> memref<125x80xi32, #tpu.memory_space<hbm>>
      %dma_wait3A_34 = arith.constant 0 : i32
      %dma_wait3A_35 = arith.constant 0 : i32
      %dma_wait3A_36 = tpu.memref_slice %arg3[%run_scoped3A, %add3A, %dma_wait3A_34, %dma_wait3A_35] : memref<2x32x125x80xi32, #tpu.memory_space<hbm>> -> memref<1x1x125x80xi32, #tpu.memory_space<hbm>>
      %dma_wait3A_37 = tpu.memref_squeeze %dma_wait3A_36 : memref<1x1x125x80xi32, #tpu.memory_space<hbm>> -> memref<125x80xi32, #tpu.memory_space<hbm>>
      tpu.wait_dma2 semaphore(%run_scoped3A_23 : memref<!tpu.dma_semaphore, #tpu.memory_space<semaphore_mem>>) src(%dma_wait3A_37 : memref<125x80xi32, #tpu.memory_space<hbm>>) dst(%arg8 : memref<125x80xi32, #tpu.memory_space<vmem>>)
      tpu.yield
    }) : () -> ()
    %run_scoped3A_1 = arith.constant 1 : i32
    "tpu.region"() ({
      %run_scoped3A_23 = tpu.sem_alloc : memref<!tpu.dma_semaphore, #tpu.memory_space<semaphore_mem>>
      %dma_start3A = arith.constant 0 : i32
      %dma_start3A_24 = arith.constant 0 : i32
      %dma_start3A_25 = tpu.memref_slice %arg3[%run_scoped3A_1, %add3A, %dma_start3A, %dma_start3A_24] : memref<2x32x125x80xi32, #tpu.memory_space<hbm>> -> memref<1x1x125x80xi32, #tpu.memory_space<hbm>>
      %dma_start3A_26 = tpu.memref_squeeze %dma_start3A_25 : memref<1x1x125x80xi32, #tpu.memory_space<hbm>> -> memref<125x80xi32, #tpu.memory_space<hbm>>
      %dma_start3A_27 = arith.constant 0 : i32
      %dma_start3A_28 = arith.constant 0 : i32
      %dma_start3A_29 = tpu.memref_slice %arg3[%run_scoped3A_1, %add3A, %dma_start3A_27, %dma_start3A_28] : memref<2x32x125x80xi32, #tpu.memory_space<hbm>> -> memref<1x1x125x80xi32, #tpu.memory_space<hbm>>
      %dma_start3A_30 = tpu.memref_squeeze %dma_start3A_29 : memref<1x1x125x80xi32, #tpu.memory_space<hbm>> -> memref<125x80xi32, #tpu.memory_space<hbm>>
      tpu.enqueue_dma source(%dma_start3A_30 : memref<125x80xi32, #tpu.memory_space<hbm>>) target(%arg9 : memref<125x80xi32, #tpu.memory_space<vmem>>) target_semaphore(%run_scoped3A_23 : memref<!tpu.dma_semaphore, #tpu.memory_space<semaphore_mem>>)
      %dma_wait3A = arith.constant 0 : i32
      %dma_wait3A_31 = arith.constant 0 : i32
      %dma_wait3A_32 = tpu.memref_slice %arg3[%run_scoped3A_1, %add3A, %dma_wait3A, %dma_wait3A_31] : memref<2x32x125x80xi32, #tpu.memory_space<hbm>> -> memref<1x1x125x80xi32, #tpu.memory_space<hbm>>
      %dma_wait3A_33 = tpu.memref_squeeze %dma_wait3A_32 : memref<1x1x125x80xi32, #tpu.memory_space<hbm>> -> memref<125x80xi32, #tpu.memory_space<hbm>>
      %dma_wait3A_34 = arith.constant 0 : i32
      %dma_wait3A_35 = arith.constant 0 : i32
      %dma_wait3A_36 = tpu.memref_slice %arg3[%run_scoped3A_1, %add3A, %dma_wait3A_34, %dma_wait3A_35] : memref<2x32x125x80xi32, #tpu.memory_space<hbm>> -> memref<1x1x125x80xi32, #tpu.memory_space<hbm>>
      %dma_wait3A_37 = tpu.memref_squeeze %dma_wait3A_36 : memref<1x1x125x80xi32, #tpu.memory_space<hbm>> -> memref<125x80xi32, #tpu.memory_space<hbm>>
      tpu.wait_dma2 semaphore(%run_scoped3A_23 : memref<!tpu.dma_semaphore, #tpu.memory_space<semaphore_mem>>) src(%dma_wait3A_37 : memref<125x80xi32, #tpu.memory_space<hbm>>) dst(%arg9 : memref<125x80xi32, #tpu.memory_space<vmem>>)
      tpu.yield
    }) : () -> ()
    %mul3A_2 = arith.constant 624 : i32
    %mul3A_3 = arith.muli %arg1, %mul3A_2 : i32
    %mul3A_4 = arith.constant 624 : i32
    %mul3A_5 = arith.muli %arg1, %mul3A_4 : i32
    "tpu.region"() ({
      %run_scoped3A_23 = tpu.sem_alloc : memref<!tpu.dma_semaphore, #tpu.memory_space<semaphore_mem>>
      %dma_start3A = arith.constant 0 : i32
      %dma_start3A_24 = tpu.memref_slice %arg14[%mul3A_5, %dma_start3A] : memref<10000x128xf32, #tpu.memory_space<vmem_shared>> -> memref<624x128xf32, #tpu.memory_space<vmem_shared>>
      %dma_start3A_25 = arith.constant 0 : i32
      %dma_start3A_26 = tpu.memref_slice %arg6[%mul3A_3, %dma_start3A_25] : memref<10000x128xf32, #tpu.memory_space<hbm>> -> memref<624x128xf32, #tpu.memory_space<hbm>>
      tpu.enqueue_dma source(%dma_start3A_26 : memref<624x128xf32, #tpu.memory_space<hbm>>) target(%dma_start3A_24 : memref<624x128xf32, #tpu.memory_space<vmem_shared>>) target_semaphore(%run_scoped3A_23 : memref<!tpu.dma_semaphore, #tpu.memory_space<semaphore_mem>>)
      %dma_wait3A = arith.constant 0 : i32
      %dma_wait3A_27 = tpu.memref_slice %arg14[%mul3A_5, %dma_wait3A] : memref<10000x128xf32, #tpu.memory_space<vmem_shared>> -> memref<624x128xf32, #tpu.memory_space<vmem_shared>>
      %dma_wait3A_28 = arith.constant 0 : i32
      %dma_wait3A_29 = tpu.memref_slice %arg6[%mul3A_3, %dma_wait3A_28] : memref<10000x128xf32, #tpu.memory_space<hbm>> -> memref<624x128xf32, #tpu.memory_space<hbm>>
      tpu.wait_dma2 semaphore(%run_scoped3A_23 : memref<!tpu.dma_semaphore, #tpu.memory_space<semaphore_mem>>) src(%dma_wait3A_29 : memref<624x128xf32, #tpu.memory_space<hbm>>) dst(%dma_wait3A_27 : memref<624x128xf32, #tpu.memory_space<vmem_shared>>)
      tpu.yield
    }) : () -> ()
    %eq3A = arith.constant 0 : i32
    %eq3A_6 = arith.cmpi eq, %arg1, %eq3A : i32
    %convert_element_type3A = arith.extui %eq3A_6 : i1 to i32
    %cond3A = arith.constant 0 : i32
    %cond3A_7 = arith.cmpi ne, %convert_element_type3A, %cond3A : i32
    scf.if %cond3A_7 {
      "tpu.region"() ({
        %run_scoped3A_23 = tpu.sem_alloc : memref<!tpu.dma_semaphore, #tpu.memory_space<semaphore_mem>>
        %dma_start3A = arith.constant 9984 : i32
        %dma_start3A_24 = arith.constant 0 : i32
        %dma_start3A_25 = tpu.memref_slice %arg14[%dma_start3A, %dma_start3A_24] : memref<10000x128xf32, #tpu.memory_space<vmem_shared>> -> memref<16x128xf32, #tpu.memory_space<vmem_shared>>
        %dma_start3A_26 = arith.constant 9984 : i32
        %dma_start3A_27 = arith.constant 0 : i32
        %dma_start3A_28 = tpu.memref_slice %arg6[%dma_start3A_26, %dma_start3A_27] : memref<10000x128xf32, #tpu.memory_space<hbm>> -> memref<16x128xf32, #tpu.memory_space<hbm>>
        tpu.enqueue_dma source(%dma_start3A_28 : memref<16x128xf32, #tpu.memory_space<hbm>>) target(%dma_start3A_25 : memref<16x128xf32, #tpu.memory_space<vmem_shared>>) target_semaphore(%run_scoped3A_23 : memref<!tpu.dma_semaphore, #tpu.memory_space<semaphore_mem>>)
        %dma_wait3A = arith.constant 9984 : i32
        %dma_wait3A_29 = arith.constant 0 : i32
        %dma_wait3A_30 = tpu.memref_slice %arg14[%dma_wait3A, %dma_wait3A_29] : memref<10000x128xf32, #tpu.memory_space<vmem_shared>> -> memref<16x128xf32, #tpu.memory_space<vmem_shared>>
        %dma_wait3A_31 = arith.constant 9984 : i32
        %dma_wait3A_32 = arith.constant 0 : i32
        %dma_wait3A_33 = tpu.memref_slice %arg6[%dma_wait3A_31, %dma_wait3A_32] : memref<10000x128xf32, #tpu.memory_space<hbm>> -> memref<16x128xf32, #tpu.memory_space<hbm>>
        tpu.wait_dma2 semaphore(%run_scoped3A_23 : memref<!tpu.dma_semaphore, #tpu.memory_space<semaphore_mem>>) src(%dma_wait3A_33 : memref<16x128xf32, #tpu.memory_space<hbm>>) dst(%dma_wait3A_30 : memref<16x128xf32, #tpu.memory_space<vmem_shared>>)
        tpu.yield
      }) : () -> ()
    } else {
    }
    %barrier3A = arith.constant 0 : index
    tpu.barrier barrier_id(%barrier3A)
    %scan3A = arith.constant 0 : i32
    %scan3A_8 = arith.constant 0 : i32
    %scan3A_9 = arith.constant 125 : i32
    %scan3A_10 = arith.addi %scan3A_8, %scan3A_9 : i32
    %scan3A_11 = arith.constant 1 : i32
    scf.for %scan3A_23 = %scan3A_8 to %scan3A_10 step %scan3A_11  : i32 {
      %dma_start3A = arith.constant 0 : i32
      %dma_start3A_24 = tpu.memref_slice %arg8[%scan3A_23, %dma_start3A] : memref<125x80xi32, #tpu.memory_space<vmem>> -> memref<1x80xi32, #tpu.memory_space<vmem>>
      %dma_start3A_25 = tpu.memref_squeeze %dma_start3A_24 : memref<1x80xi32, #tpu.memory_space<vmem>> -> memref<80xi32, #tpu.memory_space<vmem>>
      %dma_start3A_26 = arith.constant 0 : i32
      %dma_start3A_27 = tpu.memref_slice %arg4[%dma_start3A_26] : memref<10000xf32, #tpu.memory_space<hbm>> -> memref<10000xf32, #tpu.memory_space<hbm>>
      tpu.enqueue_indirect_dma source(%dma_start3A_27 : memref<10000xf32, #tpu.memory_space<hbm>>) target(%arg10 : memref<80xf32, #tpu.memory_space<vmem>>) offsets(%dma_start3A_25 : memref<80xi32, #tpu.memory_space<vmem>>) semaphore(%arg15 : memref<!tpu.dma_semaphore, #tpu.memory_space<semaphore_mem>>)
      %dma_start3A_28 = arith.constant 0 : i32
      %dma_start3A_29 = tpu.memref_slice %arg9[%scan3A_23, %dma_start3A_28] : memref<125x80xi32, #tpu.memory_space<vmem>> -> memref<1x80xi32, #tpu.memory_space<vmem>>
      %dma_start3A_30 = tpu.memref_squeeze %dma_start3A_29 : memref<1x80xi32, #tpu.memory_space<vmem>> -> memref<80xi32, #tpu.memory_space<vmem>>
      %dma_start3A_31 = arith.constant 0 : i32
      %dma_start3A_32 = tpu.memref_slice %arg5[%dma_start3A_31] : memref<10000xf32, #tpu.memory_space<hbm>> -> memref<10000xf32, #tpu.memory_space<hbm>>
      tpu.enqueue_indirect_dma source(%dma_start3A_32 : memref<10000xf32, #tpu.memory_space<hbm>>) target(%arg11 : memref<80xf32, #tpu.memory_space<vmem>>) offsets(%dma_start3A_30 : memref<80xi32, #tpu.memory_space<vmem>>) semaphore(%arg15 : memref<!tpu.dma_semaphore, #tpu.memory_space<semaphore_mem>>)
      %dma_start3A_33 = arith.constant 0 : i32
      %dma_start3A_34 = tpu.memref_slice %arg9[%scan3A_23, %dma_start3A_33] : memref<125x80xi32, #tpu.memory_space<vmem>> -> memref<1x80xi32, #tpu.memory_space<vmem>>
      %dma_start3A_35 = tpu.memref_squeeze %dma_start3A_34 : memref<1x80xi32, #tpu.memory_space<vmem>> -> memref<80xi32, #tpu.memory_space<vmem>>
      %dma_start3A_36 = arith.constant 0 : i32
      %dma_start3A_37 = arith.constant 0 : i32
      %dma_start3A_38 = tpu.memref_slice %arg2[%dma_start3A_36, %dma_start3A_37] : memref<10000x128xf32, #tpu.memory_space<hbm>> -> memref<10000x128xf32, #tpu.memory_space<hbm>>
      tpu.enqueue_indirect_dma source(%dma_start3A_38 : memref<10000x128xf32, #tpu.memory_space<hbm>>) target(%arg13 : memref<80x128xf32, #tpu.memory_space<vmem>>) offsets(%dma_start3A_35 : memref<80xi32, #tpu.memory_space<vmem>>) semaphore(%arg15 : memref<!tpu.dma_semaphore, #tpu.memory_space<semaphore_mem>>)
      %dma_wait3A = arith.constant 0 : i32
      %dma_wait3A_39 = tpu.memref_slice %arg8[%scan3A_23, %dma_wait3A] : memref<125x80xi32, #tpu.memory_space<vmem>> -> memref<1x80xi32, #tpu.memory_space<vmem>>
      %dma_wait3A_40 = tpu.memref_squeeze %dma_wait3A_39 : memref<1x80xi32, #tpu.memory_space<vmem>> -> memref<80xi32, #tpu.memory_space<vmem>>
      %dma_wait3A_41 = arith.constant 0 : i32
      %dma_wait3A_42 = tpu.memref_slice %arg4[%dma_wait3A_41] : memref<10000xf32, #tpu.memory_space<hbm>> -> memref<10000xf32, #tpu.memory_space<hbm>>
      tpu.wait_indirect_dma semaphore(%arg15 : memref<!tpu.dma_semaphore, #tpu.memory_space<semaphore_mem>>) src(%dma_wait3A_42 : memref<10000xf32, #tpu.memory_space<hbm>>) dst(%arg10 : memref<80xf32, #tpu.memory_space<vmem>>)
      %dma_wait3A_43 = arith.constant 0 : i32
      %dma_wait3A_44 = tpu.memref_slice %arg9[%scan3A_23, %dma_wait3A_43] : memref<125x80xi32, #tpu.memory_space<vmem>> -> memref<1x80xi32, #tpu.memory_space<vmem>>
      %dma_wait3A_45 = tpu.memref_squeeze %dma_wait3A_44 : memref<1x80xi32, #tpu.memory_space<vmem>> -> memref<80xi32, #tpu.memory_space<vmem>>
      %dma_wait3A_46 = arith.constant 0 : i32
      %dma_wait3A_47 = tpu.memref_slice %arg5[%dma_wait3A_46] : memref<10000xf32, #tpu.memory_space<hbm>> -> memref<10000xf32, #tpu.memory_space<hbm>>
      tpu.wait_indirect_dma semaphore(%arg15 : memref<!tpu.dma_semaphore, #tpu.memory_space<semaphore_mem>>) src(%dma_wait3A_47 : memref<10000xf32, #tpu.memory_space<hbm>>) dst(%arg11 : memref<80xf32, #tpu.memory_space<vmem>>)
      %get3A = arith.constant 0 : index
      %get3A_48 = tpu.vector_load %arg10[%get3A] {strides = array<i32>} : memref<80xf32, #tpu.memory_space<vmem>>, vector<16xf32>,
      %get3A_49 = arith.constant 0 : index
      %get3A_50 = tpu.vector_load %arg11[%get3A_49] {strides = array<i32>} : memref<80xf32, #tpu.memory_space<vmem>>, vector<16xf32>,
      %add3A_51 = arith.addf %get3A_48, %get3A_50 : vector<16xf32>
      %mul3A_52 = arith.constant 2.000000e-01 : f32
      %mul3A_53 = vector.broadcast %mul3A_52 : f32 to vector<16xf32>
      %mul3A_54 = arith.mulf %mul3A_53, %add3A_51 : vector<16xf32>
      %max3A = arith.maximumf %add3A_51, %mul3A_54 : vector<16xf32>
      %swap3A = arith.constant 0 : index
      %swap3A_55 = tpu.vector_load %arg12[%swap3A] {strides = array<i32>} : memref<96xf32, #tpu.memory_space<vmem>>, vector<16xf32>,
      tpu.vector_store %arg12[%swap3A], %max3A {strides = array<i32>} : memref<96xf32, #tpu.memory_space<vmem>>, vector<16xf32>,
      %get3A_56 = arith.constant 16 : index
      %get3A_57 = tpu.vector_load %arg10[%get3A_56] {strides = array<i32>} : memref<80xf32, #tpu.memory_space<vmem>>, vector<16xf32>,
      %get3A_58 = arith.constant 16 : index
      %get3A_59 = tpu.vector_load %arg11[%get3A_58] {strides = array<i32>} : memref<80xf32, #tpu.memory_space<vmem>>, vector<16xf32>,
      %add3A_60 = arith.addf %get3A_57, %get3A_59 : vector<16xf32>
      %mul3A_61 = arith.constant 2.000000e-01 : f32
      %mul3A_62 = vector.broadcast %mul3A_61 : f32 to vector<16xf32>
      %mul3A_63 = arith.mulf %mul3A_62, %add3A_60 : vector<16xf32>
      %max3A_64 = arith.maximumf %add3A_60, %mul3A_63 : vector<16xf32>
      %swap3A_65 = arith.constant 16 : index
      %swap3A_66 = tpu.vector_load %arg12[%swap3A_65] {strides = array<i32>} : memref<96xf32, #tpu.memory_space<vmem>>, vector<16xf32>,
      tpu.vector_store %arg12[%swap3A_65], %max3A_64 {strides = array<i32>} : memref<96xf32, #tpu.memory_space<vmem>>, vector<16xf32>,
      %get3A_67 = arith.constant 32 : index
      %get3A_68 = tpu.vector_load %arg10[%get3A_67] {strides = array<i32>} : memref<80xf32, #tpu.memory_space<vmem>>, vector<16xf32>,
      %get3A_69 = arith.constant 32 : index
      %get3A_70 = tpu.vector_load %arg11[%get3A_69] {strides = array<i32>} : memref<80xf32, #tpu.memory_space<vmem>>, vector<16xf32>,
      %add3A_71 = arith.addf %get3A_68, %get3A_70 : vector<16xf32>
      %mul3A_72 = arith.constant 2.000000e-01 : f32
      %mul3A_73 = vector.broadcast %mul3A_72 : f32 to vector<16xf32>
      %mul3A_74 = arith.mulf %mul3A_73, %add3A_71 : vector<16xf32>
      %max3A_75 = arith.maximumf %add3A_71, %mul3A_74 : vector<16xf32>
      %swap3A_76 = arith.constant 32 : index
      %swap3A_77 = tpu.vector_load %arg12[%swap3A_76] {strides = array<i32>} : memref<96xf32, #tpu.memory_space<vmem>>, vector<16xf32>,
      tpu.vector_store %arg12[%swap3A_76], %max3A_75 {strides = array<i32>} : memref<96xf32, #tpu.memory_space<vmem>>, vector<16xf32>,
      %get3A_78 = arith.constant 48 : index
      %get3A_79 = tpu.vector_load %arg10[%get3A_78] {strides = array<i32>} : memref<80xf32, #tpu.memory_space<vmem>>, vector<16xf32>,
      %get3A_80 = arith.constant 48 : index
      %get3A_81 = tpu.vector_load %arg11[%get3A_80] {strides = array<i32>} : memref<80xf32, #tpu.memory_space<vmem>>, vector<16xf32>,
      %add3A_82 = arith.addf %get3A_79, %get3A_81 : vector<16xf32>
      %mul3A_83 = arith.constant 2.000000e-01 : f32
      %mul3A_84 = vector.broadcast %mul3A_83 : f32 to vector<16xf32>
      %mul3A_85 = arith.mulf %mul3A_84, %add3A_82 : vector<16xf32>
      %max3A_86 = arith.maximumf %add3A_82, %mul3A_85 : vector<16xf32>
      %swap3A_87 = arith.constant 48 : index
      %swap3A_88 = tpu.vector_load %arg12[%swap3A_87] {strides = array<i32>} : memref<96xf32, #tpu.memory_space<vmem>>, vector<16xf32>,
      tpu.vector_store %arg12[%swap3A_87], %max3A_86 {strides = array<i32>} : memref<96xf32, #tpu.memory_space<vmem>>, vector<16xf32>,
      %get3A_89 = arith.constant 64 : index
      %get3A_90 = tpu.vector_load %arg10[%get3A_89] {strides = array<i32>} : memref<80xf32, #tpu.memory_space<vmem>>, vector<16xf32>,
      %get3A_91 = arith.constant 64 : index
      %get3A_92 = tpu.vector_load %arg11[%get3A_91] {strides = array<i32>} : memref<80xf32, #tpu.memory_space<vmem>>, vector<16xf32>,
      %add3A_93 = arith.addf %get3A_90, %get3A_92 : vector<16xf32>
      %mul3A_94 = arith.constant 2.000000e-01 : f32
      %mul3A_95 = vector.broadcast %mul3A_94 : f32 to vector<16xf32>
      %mul3A_96 = arith.mulf %mul3A_95, %add3A_93 : vector<16xf32>
      %max3A_97 = arith.maximumf %add3A_93, %mul3A_96 : vector<16xf32>
      %swap3A_98 = arith.constant 64 : index
      %swap3A_99 = tpu.vector_load %arg12[%swap3A_98] {strides = array<i32>} : memref<96xf32, #tpu.memory_space<vmem>>, vector<16xf32>,
      tpu.vector_store %arg12[%swap3A_98], %max3A_97 {strides = array<i32>} : memref<96xf32, #tpu.memory_space<vmem>>, vector<16xf32>,
      %dma_wait3A_100 = arith.constant 0 : i32
      %dma_wait3A_101 = tpu.memref_slice %arg9[%scan3A_23, %dma_wait3A_100] : memref<125x80xi32, #tpu.memory_space<vmem>> -> memref<1x80xi32, #tpu.memory_space<vmem>>
      %dma_wait3A_102 = tpu.memref_squeeze %dma_wait3A_101 : memref<1x80xi32, #tpu.memory_space<vmem>> -> memref<80xi32, #tpu.memory_space<vmem>>
      %dma_wait3A_103 = arith.constant 0 : i32
      %dma_wait3A_104 = arith.constant 0 : i32
      %dma_wait3A_105 = tpu.memref_slice %arg2[%dma_wait3A_103, %dma_wait3A_104] : memref<10000x128xf32, #tpu.memory_space<hbm>> -> memref<10000x128xf32, #tpu.memory_space<hbm>>
      tpu.wait_indirect_dma semaphore(%arg15 : memref<!tpu.dma_semaphore, #tpu.memory_space<semaphore_mem>>) src(%dma_wait3A_105 : memref<10000x128xf32, #tpu.memory_space<hbm>>) dst(%arg13 : memref<80x128xf32, #tpu.memory_space<vmem>>)
      %scan3A_106 = arith.constant 0 : i32
      %scan3A_107 = arith.constant 0 : i32
      %scan3A_108 = arith.constant 80 : i32
      %scan3A_109 = arith.addi %scan3A_107, %scan3A_108 : i32
      %scan3A_110 = arith.constant 1 : i32
      scf.for %scan3A_112 = %scan3A_107 to %scan3A_109 step %scan3A_110  : i32 {
        %get3A_113 = arith.index_cast %scan3A_112 : i32 to index
        %get3A_114 = tpu.vector_load %arg12[%get3A_113] {strides = array<i32>} : memref<96xf32, #tpu.memory_space<vmem>>, vector<16xf32>,
        %slice3A = vector.extract_strided_slice %get3A_114 {offsets = [0], sizes = [1], strides = [1]} : vector<16xf32> to vector<1xf32>
        %squeeze3A = vector.extract %slice3A[0] : f32 from vector<1xf32>
        %get3A_115 = arith.index_cast %scan3A_112 : i32 to index
        %get3A_116 = arith.constant 0 : index
        %get3A_117 = tpu.vector_load %arg13[%get3A_115, %get3A_116] {strides = array<i32>} : memref<80x128xf32, #tpu.memory_space<vmem>>, vector<16xf32>,
        %mul3A_118 = vector.broadcast %squeeze3A : f32 to vector<16xf32>
        %mul3A_119 = arith.mulf %mul3A_118, %get3A_117 : vector<16xf32>
        %swap3A_120 = arith.index_cast %scan3A_112 : i32 to index
        %swap3A_121 = arith.constant 0 : index
        %swap3A_122 = tpu.vector_load %arg13[%swap3A_120, %swap3A_121] {strides = array<i32>} : memref<80x128xf32, #tpu.memory_space<vmem>>, vector<16xf32>,
        tpu.vector_store %arg13[%swap3A_120, %swap3A_121], %mul3A_119 {strides = array<i32>} : memref<80x128xf32, #tpu.memory_space<vmem>>, vector<16xf32>,
        %get3A_123 = arith.index_cast %scan3A_112 : i32 to index
        %get3A_124 = arith.constant 16 : index
        %get3A_125 = tpu.vector_load %arg13[%get3A_123, %get3A_124] {strides = array<i32>} : memref<80x128xf32, #tpu.memory_space<vmem>>, vector<16xf32>,
        %mul3A_126 = vector.broadcast %squeeze3A : f32 to vector<16xf32>
        %mul3A_127 = arith.mulf %mul3A_126, %get3A_125 : vector<16xf32>
        %swap3A_128 = arith.index_cast %scan3A_112 : i32 to index
        %swap3A_129 = arith.constant 16 : index
        %swap3A_130 = tpu.vector_load %arg13[%swap3A_128, %swap3A_129] {strides = array<i32>} : memref<80x128xf32, #tpu.memory_space<vmem>>, vector<16xf32>,
        tpu.vector_store %arg13[%swap3A_128, %swap3A_129], %mul3A_127 {strides = array<i32>} : memref<80x128xf32, #tpu.memory_space<vmem>>, vector<16xf32>,
        %get3A_131 = arith.index_cast %scan3A_112 : i32 to index
        %get3A_132 = arith.constant 32 : index
        %get3A_133 = tpu.vector_load %arg13[%get3A_131, %get3A_132] {strides = array<i32>} : memref<80x128xf32, #tpu.memory_space<vmem>>, vector<16xf32>,
        %mul3A_134 = vector.broadcast %squeeze3A : f32 to vector<16xf32>
        %mul3A_135 = arith.mulf %mul3A_134, %get3A_133 : vector<16xf32>
        %swap3A_136 = arith.index_cast %scan3A_112 : i32 to index
        %swap3A_137 = arith.constant 32 : index
        %swap3A_138 = tpu.vector_load %arg13[%swap3A_136, %swap3A_137] {strides = array<i32>} : memref<80x128xf32, #tpu.memory_space<vmem>>, vector<16xf32>,
        tpu.vector_store %arg13[%swap3A_136, %swap3A_137], %mul3A_135 {strides = array<i32>} : memref<80x128xf32, #tpu.memory_space<vmem>>, vector<16xf32>,
        %get3A_139 = arith.index_cast %scan3A_112 : i32 to index
        %get3A_140 = arith.constant 48 : index
        %get3A_141 = tpu.vector_load %arg13[%get3A_139, %get3A_140] {strides = array<i32>} : memref<80x128xf32, #tpu.memory_space<vmem>>, vector<16xf32>,
        %mul3A_142 = vector.broadcast %squeeze3A : f32 to vector<16xf32>
        %mul3A_143 = arith.mulf %mul3A_142, %get3A_141 : vector<16xf32>
        %swap3A_144 = arith.index_cast %scan3A_112 : i32 to index
        %swap3A_145 = arith.constant 48 : index
        %swap3A_146 = tpu.vector_load %arg13[%swap3A_144, %swap3A_145] {strides = array<i32>} : memref<80x128xf32, #tpu.memory_space<vmem>>, vector<16xf32>,
        tpu.vector_store %arg13[%swap3A_144, %swap3A_145], %mul3A_143 {strides = array<i32>} : memref<80x128xf32, #tpu.memory_space<vmem>>, vector<16xf32>,
        %get3A_147 = arith.index_cast %scan3A_112 : i32 to index
        %get3A_148 = arith.constant 64 : index
        %get3A_149 = tpu.vector_load %arg13[%get3A_147, %get3A_148] {strides = array<i32>} : memref<80x128xf32, #tpu.memory_space<vmem>>, vector<16xf32>,
        %mul3A_150 = vector.broadcast %squeeze3A : f32 to vector<16xf32>
        %mul3A_151 = arith.mulf %mul3A_150, %get3A_149 : vector<16xf32>
        %swap3A_152 = arith.index_cast %scan3A_112 : i32 to index
        %swap3A_153 = arith.constant 64 : index
        %swap3A_154 = tpu.vector_load %arg13[%swap3A_152, %swap3A_153] {strides = array<i32>} : memref<80x128xf32, #tpu.memory_space<vmem>>, vector<16xf32>,
        tpu.vector_store %arg13[%swap3A_152, %swap3A_153], %mul3A_151 {strides = array<i32>} : memref<80x128xf32, #tpu.memory_space<vmem>>, vector<16xf32>,
        %get3A_155 = arith.index_cast %scan3A_112 : i32 to index
        %get3A_156 = arith.constant 80 : index
        %get3A_157 = tpu.vector_load %arg13[%get3A_155, %get3A_156] {strides = array<i32>} : memref<80x128xf32, #tpu.memory_space<vmem>>, vector<16xf32>,
        %mul3A_158 = vector.broadcast %squeeze3A : f32 to vector<16xf32>
        %mul3A_159 = arith.mulf %mul3A_158, %get3A_157 : vector<16xf32>
        %swap3A_160 = arith.index_cast %scan3A_112 : i32 to index
        %swap3A_161 = arith.constant 80 : index
        %swap3A_162 = tpu.vector_load %arg13[%swap3A_160, %swap3A_161] {strides = array<i32>} : memref<80x128xf32, #tpu.memory_space<vmem>>, vector<16xf32>,
        tpu.vector_store %arg13[%swap3A_160, %swap3A_161], %mul3A_159 {strides = array<i32>} : memref<80x128xf32, #tpu.memory_space<vmem>>, vector<16xf32>,
        %get3A_163 = arith.index_cast %scan3A_112 : i32 to index
        %get3A_164 = arith.constant 96 : index
        %get3A_165 = tpu.vector_load %arg13[%get3A_163, %get3A_164] {strides = array<i32>} : memref<80x128xf32, #tpu.memory_space<vmem>>, vector<16xf32>,
        %mul3A_166 = vector.broadcast %squeeze3A : f32 to vector<16xf32>
        %mul3A_167 = arith.mulf %mul3A_166, %get3A_165 : vector<16xf32>
        %swap3A_168 = arith.index_cast %scan3A_112 : i32 to index
        %swap3A_169 = arith.constant 96 : index
        %swap3A_170 = tpu.vector_load %arg13[%swap3A_168, %swap3A_169] {strides = array<i32>} : memref<80x128xf32, #tpu.memory_space<vmem>>, vector<16xf32>,
        tpu.vector_store %arg13[%swap3A_168, %swap3A_169], %mul3A_167 {strides = array<i32>} : memref<80x128xf32, #tpu.memory_space<vmem>>, vector<16xf32>,
        %get3A_171 = arith.index_cast %scan3A_112 : i32 to index
        %get3A_172 = arith.constant 112 : index
        %get3A_173 = tpu.vector_load %arg13[%get3A_171, %get3A_172] {strides = array<i32>} : memref<80x128xf32, #tpu.memory_space<vmem>>, vector<16xf32>,
        %mul3A_174 = vector.broadcast %squeeze3A : f32 to vector<16xf32>
        %mul3A_175 = arith.mulf %mul3A_174, %get3A_173 : vector<16xf32>
        %swap3A_176 = arith.index_cast %scan3A_112 : i32 to index
        %swap3A_177 = arith.constant 112 : index
        %swap3A_178 = tpu.vector_load %arg13[%swap3A_176, %swap3A_177] {strides = array<i32>} : memref<80x128xf32, #tpu.memory_space<vmem>>, vector<16xf32>,
        tpu.vector_store %arg13[%swap3A_176, %swap3A_177], %mul3A_175 {strides = array<i32>} : memref<80x128xf32, #tpu.memory_space<vmem>>, vector<16xf32>,
      }
      %scan3A_111 = arith.constant 80 : i32
      "tpu.region"() ({
        %run_scoped3A_112 = tpu.sem_alloc : memref<!tpu.dma_semaphore, #tpu.memory_space<semaphore_mem>>
        %dma_start3A_113 = arith.constant 0 : i32
        %dma_start3A_114 = tpu.memref_slice %arg8[%scan3A_23, %dma_start3A_113] : memref<125x80xi32, #tpu.memory_space<vmem>> -> memref<1x80xi32, #tpu.memory_space<vmem>>
        %dma_start3A_115 = tpu.memref_squeeze %dma_start3A_114 : memref<1x80xi32, #tpu.memory_space<vmem>> -> memref<80xi32, #tpu.memory_space<vmem>>
        %dma_start3A_116 = arith.constant 0 : i32
        %dma_start3A_117 = arith.constant 0 : i32
        %dma_start3A_118 = tpu.memref_slice %arg14[%dma_start3A_116, %dma_start3A_117] : memref<10000x128xf32, #tpu.memory_space<vmem_shared>> -> memref<10000x128xf32, #tpu.memory_space<vmem_shared>>
        tpu.enqueue_indirect_dma source(%arg13 : memref<80x128xf32, #tpu.memory_space<vmem>>) target(%dma_start3A_118 : memref<10000x128xf32, #tpu.memory_space<vmem_shared>>) offsets(%dma_start3A_115 : memref<80xi32, #tpu.memory_space<vmem>>) semaphore(%run_scoped3A_112 : memref<!tpu.dma_semaphore, #tpu.memory_space<semaphore_mem>>) {add = true}
        %dma_wait3A_119 = arith.constant 0 : i32
        %dma_wait3A_120 = tpu.memref_slice %arg8[%scan3A_23, %dma_wait3A_119] : memref<125x80xi32, #tpu.memory_space<vmem>> -> memref<1x80xi32, #tpu.memory_space<vmem>>
        %dma_wait3A_121 = tpu.memref_squeeze %dma_wait3A_120 : memref<1x80xi32, #tpu.memory_space<vmem>> -> memref<80xi32, #tpu.memory_space<vmem>>
        %dma_wait3A_122 = arith.constant 0 : i32
        %dma_wait3A_123 = arith.constant 0 : i32
        %dma_wait3A_124 = tpu.memref_slice %arg14[%dma_wait3A_122, %dma_wait3A_123] : memref<10000x128xf32, #tpu.memory_space<vmem_shared>> -> memref<10000x128xf32, #tpu.memory_space<vmem_shared>>
        tpu.wait_indirect_dma semaphore(%run_scoped3A_112 : memref<!tpu.dma_semaphore, #tpu.memory_space<semaphore_mem>>) src(%arg13 : memref<80x128xf32, #tpu.memory_space<vmem>>) dst(%dma_wait3A_124 : memref<10000x128xf32, #tpu.memory_space<vmem_shared>>)
        tpu.yield
      }) : () -> ()
    }
    %scan3A_12 = arith.constant 125 : i32
    %barrier3A_13 = arith.constant 0 : index
    tpu.barrier barrier_id(%barrier3A_13)
    %mul3A_14 = arith.constant 624 : i32
    %mul3A_15 = arith.muli %arg1, %mul3A_14 : i32
    %mul3A_16 = arith.constant 624 : i32
    %mul3A_17 = arith.muli %arg1, %mul3A_16 : i32
    "tpu.region"() ({
      %run_scoped3A_23 = tpu.sem_alloc : memref<!tpu.dma_semaphore, #tpu.memory_space<semaphore_mem>>
      %dma_start3A = arith.constant 0 : i32
      %dma_start3A_24 = tpu.memref_slice %arg7[%arg0, %mul3A_17, %dma_start3A] : memref<2x10000x128xf32, #tpu.memory_space<hbm>> -> memref<1x624x128xf32, #tpu.memory_space<hbm>>
      %dma_start3A_25 = tpu.memref_squeeze %dma_start3A_24 : memref<1x624x128xf32, #tpu.memory_space<hbm>> -> memref<624x128xf32, #tpu.memory_space<hbm>>
      %dma_start3A_26 = arith.constant 0 : i32
      %dma_start3A_27 = tpu.memref_slice %arg14[%mul3A_15, %dma_start3A_26] : memref<10000x128xf32, #tpu.memory_space<vmem_shared>> -> memref<624x128xf32, #tpu.memory_space<vmem_shared>>
      tpu.enqueue_dma source(%dma_start3A_27 : memref<624x128xf32, #tpu.memory_space<vmem_shared>>) target(%dma_start3A_25 : memref<624x128xf32, #tpu.memory_space<hbm>>) target_semaphore(%run_scoped3A_23 : memref<!tpu.dma_semaphore, #tpu.memory_space<semaphore_mem>>)
      %dma_wait3A = arith.constant 0 : i32
      %dma_wait3A_28 = tpu.memref_slice %arg7[%arg0, %mul3A_17, %dma_wait3A] : memref<2x10000x128xf32, #tpu.memory_space<hbm>> -> memref<1x624x128xf32, #tpu.memory_space<hbm>>
      %dma_wait3A_29 = tpu.memref_squeeze %dma_wait3A_28 : memref<1x624x128xf32, #tpu.memory_space<hbm>> -> memref<624x128xf32, #tpu.memory_space<hbm>>
      %dma_wait3A_30 = arith.constant 0 : i32
      %dma_wait3A_31 = tpu.memref_slice %arg14[%mul3A_15, %dma_wait3A_30] : memref<10000x128xf32, #tpu.memory_space<vmem_shared>> -> memref<624x128xf32, #tpu.memory_space<vmem_shared>>
      tpu.wait_dma2 semaphore(%run_scoped3A_23 : memref<!tpu.dma_semaphore, #tpu.memory_space<semaphore_mem>>) src(%dma_wait3A_31 : memref<624x128xf32, #tpu.memory_space<vmem_shared>>) dst(%dma_wait3A_29 : memref<624x128xf32, #tpu.memory_space<hbm>>)
      tpu.yield
    }) : () -> ()
    %eq3A_18 = arith.constant 0 : i32
    %eq3A_19 = arith.cmpi eq, %arg1, %eq3A_18 : i32
    %convert_element_type3A_20 = arith.extui %eq3A_19 : i1 to i32
    %cond3A_21 = arith.constant 0 : i32
    %cond3A_22 = arith.cmpi ne, %convert_element_type3A_20, %cond3A_21 : i32
    scf.if %cond3A_22 {
      "tpu.region"() ({
        %run_scoped3A_23 = tpu.sem_alloc : memref<!tpu.dma_semaphore, #tpu.memory_space<semaphore_mem>>
        %dma_start3A = arith.constant 9984 : i32
        %dma_start3A_24 = arith.constant 0 : i32
        %dma_start3A_25 = tpu.memref_slice %arg7[%arg0, %dma_start3A, %dma_start3A_24] : memref<2x10000x128xf32, #tpu.memory_space<hbm>> -> memref<1x16x128xf32, #tpu.memory_space<hbm>>
        %dma_start3A_26 = tpu.memref_squeeze %dma_start3A_25 : memref<1x16x128xf32, #tpu.memory_space<hbm>> -> memref<16x128xf32, #tpu.memory_space<hbm>>
        %dma_start3A_27 = arith.constant 9984 : i32
        %dma_start3A_28 = arith.constant 0 : i32
        %dma_start3A_29 = tpu.memref_slice %arg14[%dma_start3A_27, %dma_start3A_28] : memref<10000x128xf32, #tpu.memory_space<vmem_shared>> -> memref<16x128xf32, #tpu.memory_space<vmem_shared>>
        tpu.enqueue_dma source(%dma_start3A_29 : memref<16x128xf32, #tpu.memory_space<vmem_shared>>) target(%dma_start3A_26 : memref<16x128xf32, #tpu.memory_space<hbm>>) target_semaphore(%run_scoped3A_23 : memref<!tpu.dma_semaphore, #tpu.memory_space<semaphore_mem>>)
        %dma_wait3A = arith.constant 9984 : i32
        %dma_wait3A_30 = arith.constant 0 : i32
        %dma_wait3A_31 = tpu.memref_slice %arg7[%arg0, %dma_wait3A, %dma_wait3A_30] : memref<2x10000x128xf32, #tpu.memory_space<hbm>> -> memref<1x16x128xf32, #tpu.memory_space<hbm>>
        %dma_wait3A_32 = tpu.memref_squeeze %dma_wait3A_31 : memref<1x16x128xf32, #tpu.memory_space<hbm>> -> memref<16x128xf32, #tpu.memory_space<hbm>>
        %dma_wait3A_33 = arith.constant 9984 : i32
        %dma_wait3A_34 = arith.constant 0 : i32
        %dma_wait3A_35 = tpu.memref_slice %arg14[%dma_wait3A_33, %dma_wait3A_34] : memref<10000x128xf32, #tpu.memory_space<vmem_shared>> -> memref<16x128xf32, #tpu.memory_space<vmem_shared>>
        tpu.wait_dma2 semaphore(%run_scoped3A_23 : memref<!tpu.dma_semaphore, #tpu.memory_space<semaphore_mem>>) src(%dma_wait3A_35 : memref<16x128xf32, #tpu.memory_space<vmem_shared>>) dst(%dma_wait3A_32 : memref<16x128xf32, #tpu.memory_space<hbm>>)
        tpu.yield
      }) : () -> ()
    } else {
    }
    return
  }
}

module attributes {stable_mosaic.version = 14 : i64} {
  func.func @_prep_body(%arg0: i32, %arg1: memref<2000x128xf32, #tpu.memory_space<vmem>>, %arg2: memref<128x2xf32, #tpu.memory_space<vmem>>, %arg3: memref<1x2xf32, #tpu.memory_space<vmem>>, %arg4: memref<2000x1xf32, #tpu.memory_space<vmem>>, %arg5: memref<2000x1xf32, #tpu.memory_space<vmem>>, %arg6: memref<2000x128xf32, #tpu.memory_space<vmem>>) attributes {dimension_semantics = [#tpu.dimension_semantics<arbitrary>], iteration_bounds = array<i64: 5>, scalar_prefetch = 0 : i64, scratch_operands = 0 : i64, tpu.core_type = #tpu.core_type<tc>, window_params = [{transform_indices = @transform_0, window_bounds = array<i64: 2000, 128>}, {pipeline_mode = #tpu.pipeline_mode<synchronous>, transform_indices = @transform_1, window_bounds = array<i64: 128, 2>}, {pipeline_mode = #tpu.pipeline_mode<synchronous>, transform_indices = @transform_2, window_bounds = array<i64: 1, 2>}, {transform_indices = @transform_3, window_bounds = array<i64: 2000, 1>}, {transform_indices = @transform_4, window_bounds = array<i64: 2000, 1>}, {transform_indices = @transform_5, window_bounds = array<i64: 2000, 128>}]} {
    %get3A = arith.constant 0 : index
    %get3A_0 = arith.constant 0 : index
    %get3A_1 = vector.load %arg1[%get3A, %get3A_0] : memref<2000x128xf32, #tpu.memory_space<vmem>>, vector<2000x128xf32>
    %get3A_2 = arith.constant 0 : index
    %get3A_3 = arith.constant 0 : index
    %get3A_4 = vector.load %arg2[%get3A_2, %get3A_3] : memref<128x2xf32, #tpu.memory_space<vmem>>, vector<128x2xf32>
    %dot_general3A = arith.constant dense<0.000000e+00> : vector<2000x2xf32>
    %dot_general3A_5 = tpu.matmul %get3A_1, %get3A_4, %dot_general3A {dimension_numbers = #tpu.dot_dimension_numbers<[1], [0], [0], [1], [0, 0, 1, 1], [], []>, transpose_lhs_hint = false} : vector<2000x128xf32>, vector<128x2xf32>, vector<2000x2xf32> -> vector<2000x2xf32>
    %slice3A = vector.extract_strided_slice %dot_general3A_5 {offsets = [0, 0], sizes = [2000, 1], strides = [1, 1]} : vector<2000x2xf32> to vector<2000x1xf32>
    %get3A_6 = arith.constant 0 : index
    %get3A_7 = arith.constant 0 : index
    %get3A_8 = vector.load %arg3[%get3A_6, %get3A_7] : memref<1x2xf32, #tpu.memory_space<vmem>>, vector<1x1xf32>
    %get3A_9 = vector.extract %get3A_8[0, 0] : f32 from vector<1x1xf32>
    %add3A = vector.broadcast %get3A_9 : f32 to vector<2000x1xf32>
    %add3A_10 = arith.addf %slice3A, %add3A : vector<2000x1xf32>
    %slice3A_11 = vector.extract_strided_slice %dot_general3A_5 {offsets = [0, 1], sizes = [2000, 1], strides = [1, 1]} : vector<2000x2xf32> to vector<2000x1xf32>
    %get3A_12 = arith.constant 0 : index
    %get3A_13 = arith.constant 1 : index
    %get3A_14 = vector.load %arg3[%get3A_12, %get3A_13] : memref<1x2xf32, #tpu.memory_space<vmem>>, vector<1x1xf32>
    %get3A_15 = vector.extract %get3A_14[0, 0] : f32 from vector<1x1xf32>
    %add3A_16 = vector.broadcast %get3A_15 : f32 to vector<2000x1xf32>
    %add3A_17 = arith.addf %slice3A_11, %add3A_16 : vector<2000x1xf32>
    %add3A_18 = arith.addf %add3A_10, %add3A_17 : vector<2000x1xf32>
    %mul3A = arith.constant 2.000000e-01 : f32
    %mul3A_19 = vector.broadcast %mul3A : f32 to vector<2000x1xf32>
    %mul3A_20 = arith.mulf %mul3A_19, %add3A_18 : vector<2000x1xf32>
    %max3A = arith.maximumf %add3A_18, %mul3A_20 : vector<2000x1xf32>
    %swap3A = arith.constant 0 : index
    %swap3A_21 = arith.constant 0 : index
    %swap3A_22 = vector.load %arg4[%swap3A, %swap3A_21] : memref<2000x1xf32, #tpu.memory_space<vmem>>, vector<2000x1xf32>
    tpu.vector_store %arg4[%swap3A, %swap3A_21], %add3A_10 {strides = array<i32>} : memref<2000x1xf32, #tpu.memory_space<vmem>>, vector<2000x1xf32>,
    %swap3A_23 = arith.constant 0 : index
    %swap3A_24 = arith.constant 0 : index
    %swap3A_25 = vector.load %arg5[%swap3A_23, %swap3A_24] : memref<2000x1xf32, #tpu.memory_space<vmem>>, vector<2000x1xf32>
    tpu.vector_store %arg5[%swap3A_23, %swap3A_24], %add3A_17 {strides = array<i32>} : memref<2000x1xf32, #tpu.memory_space<vmem>>, vector<2000x1xf32>,
    %mul3A_26 = arith.constant 5.000000e-01 : f32
    %mul3A_27 = vector.broadcast %mul3A_26 : f32 to vector<2000x1xf32>
    %mul3A_28 = arith.mulf %mul3A_27, %max3A : vector<2000x1xf32>
    %mul3A_29 = vector.broadcast %mul3A_28 : vector<2000x1xf32> to vector<2000x128xf32>
    %mul3A_30 = arith.mulf %mul3A_29, %get3A_1 : vector<2000x128xf32>
    %swap3A_31 = arith.constant 0 : index
    %swap3A_32 = arith.constant 0 : index
    %swap3A_33 = vector.load %arg6[%swap3A_31, %swap3A_32] : memref<2000x128xf32, #tpu.memory_space<vmem>>, vector<2000x128xf32>
    tpu.vector_store %arg6[%swap3A_31, %swap3A_32], %mul3A_30 {strides = array<i32>} : memref<2000x128xf32, #tpu.memory_space<vmem>>, vector<2000x128xf32>,
    return
  }
  func.func @transform_0(%arg0: i32) -> (i32, i32) {
    %c0_i32 = arith.constant 0 : i32
    %c0_i32_0 = arith.constant 0 : i32
    return %arg0, %c0_i32 : i32, i32
  }
  func.func @transform_1(%arg0: i32) -> (i32, i32) {
    %c0_i32 = arith.constant 0 : i32
    %c0_i32_0 = arith.constant 0 : i32
    %c0_i32_1 = arith.constant 0 : i32
    return %c0_i32, %c0_i32_0 : i32, i32
  }
  func.func @transform_2(%arg0: i32) -> (i32, i32) {
    %c0_i32 = arith.constant 0 : i32
    %c0_i32_0 = arith.constant 0 : i32
    %c0_i32_1 = arith.constant 0 : i32
    return %c0_i32, %c0_i32_0 : i32, i32
  }
  func.func @transform_3(%arg0: i32) -> (i32, i32) {
    %c0_i32 = arith.constant 0 : i32
    %c0_i32_0 = arith.constant 0 : i32
    return %arg0, %c0_i32 : i32, i32
  }
  func.func @transform_4(%arg0: i32) -> (i32, i32) {
    %c0_i32 = arith.constant 0 : i32
    %c0_i32_0 = arith.constant 0 : i32
    return %arg0, %c0_i32 : i32, i32
  }
  func.func @transform_5(%arg0: i32) -> (i32, i32) {
    %c0_i32 = arith.constant 0 : i32
    %c0_i32_0 = arith.constant 0 : i32
    return %arg0, %c0_i32 : i32, i32
  }
}

module attributes {stable_mosaic.version = 14 : i64} {
  func.func @_combine_body(%arg0: i32, %arg1: memref<2x2000x128xf32, #tpu.memory_space<vmem>>, %arg2: memref<2000x128xf32, #tpu.memory_space<vmem>>) attributes {dimension_semantics = [#tpu.dimension_semantics<arbitrary>], iteration_bounds = array<i64: 5>, scalar_prefetch = 0 : i64, scratch_operands = 0 : i64, tpu.core_type = #tpu.core_type<tc>, window_params = [{transform_indices = @transform_0, window_bounds = array<i64: 2, 2000, 128>}, {transform_indices = @transform_1, window_bounds = array<i64: 2000, 128>}]} {
    %get3A = arith.constant 0 : index
    %get3A_0 = arith.constant 0 : index
    %get3A_1 = arith.constant 0 : index
    %get3A_2 = vector.load %arg1[%get3A, %get3A_0, %get3A_1] : memref<2x2000x128xf32, #tpu.memory_space<vmem>>, vector<1x2000x128xf32>
    %get3A_3 = vector.shape_cast %get3A_2 : vector<1x2000x128xf32> to vector<2000x128xf32>
    %get3A_4 = arith.constant 1 : index
    %get3A_5 = arith.constant 0 : index
    %get3A_6 = arith.constant 0 : index
    %get3A_7 = vector.load %arg1[%get3A_4, %get3A_5, %get3A_6] : memref<2x2000x128xf32, #tpu.memory_space<vmem>>, vector<1x2000x128xf32>
    %get3A_8 = vector.shape_cast %get3A_7 : vector<1x2000x128xf32> to vector<2000x128xf32>
    %add3A = arith.addf %get3A_3, %get3A_8 : vector<2000x128xf32>
    %swap3A = arith.constant 0 : index
    %swap3A_9 = arith.constant 0 : index
    %swap3A_10 = vector.load %arg2[%swap3A, %swap3A_9] : memref<2000x128xf32, #tpu.memory_space<vmem>>, vector<2000x128xf32>
    tpu.vector_store %arg2[%swap3A, %swap3A_9], %add3A {strides = array<i32>} : memref<2000x128xf32, #tpu.memory_space<vmem>>, vector<2000x128xf32>,
    return
  }
  func.func @transform_0(%arg0: i32) -> (i32, i32, i32) {
    %c0_i32 = arith.constant 0 : i32
    %c0_i32_0 = arith.constant 0 : i32
    %c0_i32_1 = arith.constant 0 : i32
    return %c0_i32, %arg0, %c0_i32_0 : i32, i32, i32
  }
  func.func @transform_1(%arg0: i32) -> (i32, i32) {
    %c0_i32 = arith.constant 0 : i32
    %c0_i32_0 = arith.constant 0 : i32
    return %arg0, %c0_i32 : i32, i32
  }
}

</mosaic_0001>

<sc_bundles>
// kernel: kernel.5.cloned.1.call-start
scs
__scs_entry_jumppad:
0x0: {  	(pc) =	sbr.rel $0x88, $3  }
0x1: {  	(tag) =	ssettag $0x0;
	lr =	simm.s32 $0x1  }
0x2: {  	[smem:$0x3F9B] =	sst lr;
	_ =	strace $0xD0000000  }
0x3: {  	_ = 	snop  }
0x4: {  	_ = 	snop  }
0x5: {  	_ = 	snop  }
0x6: {  	_ = 	snop  }
0x7: {  	_ = 	snop  }
__scs_overlays_trampoline_lowered:
0x8: {  	[smem:$0x3FAA] =	sst s0  }
0x9: {  	[smem:$0x3FAB] =	sst s1  }
0xa: {  	[smem:$0x3FAC] =	sst s2  }
0xb: {  	[smem:$0x3FAD] =	sst s3  }
0xc: {  	[smem:$0x3FAE] =	sst s4  }
0xd: {  	[smem:$0x3FAF] =	sst s5  }
0xe: {  	[smem:$0x3FB0] =	sst s6  }
0xf: {  	[smem:$0x3FB1] =	sst s7  }
0x10: {  	[smem:$0x3FB2] =	sst s8  }
0x11: {  	[smem:$0x3FB3] =	sst s9;
	s0 =	simm.s32 @!p0 $0x0  }
0x12: {  	s1 =	sld [smem:$0x3F99];
	s0 =	simm.s32 @p0 $0x1  }
0x13: {  	[smem:$0x3FB4] =	sst s0;
	s0 =	simm.s32 @!p1 $0x0  }
0x14: {  	s2 =	sld [smem:$0x3F98];
	s0 =	simm.s32 @p1 $0x1  }
0x15: {  	[smem:$0x3FB5] =	sst s0;
	s0 =	simm.s32 @!p2 $0x0  }
0x16: {  	s3 =	sld [smem:$0x3FDB];
	s0 =	simm.s32 @p2 $0x1  }
0x17: {  	s4 =	simm.s32 $0x1BF5;
	[smem:$0x3FB7] =	sst s0  }
0x18: {  	s0 =	sld [smem:$0x3F9A];
	_ =	swait.ge [sflag:s4], $0x0  }
0x19: {  	s7 =	sld [smem:$0x3F9B]  }
0x1a: {  	s8 =	sadd.s32 $0xFFFFE003, lr  }
0x1b: {  	s9 =	sadd.s32 $0xFFFFFEF7, lr;
	s5 =	simm.s32 $0xFFFFFFFF;
	p2 =	slt.u32 s8, $0xFFFFF086  }
0x1c: {  	p1 =	slt.u32 s9, $0xF7A;
	s5 =	simm.s32 @!p2 $0x0  }
0x1d: {  	s5 =	simm.s32 @p1 $0x1;
	p0 =	seq.s32 s7, s2  }
0x1e: {  	s7 =	smul.u32 @!p0 $0xF7A, s2;
	p2 =	seq.s32 @!p0 s5, $0x0  }
0x1f: {  	s9 =	smul.u32 $0xF7A, s1;
	s8 =	simm.s32 @!p0 $0x1BF5;
	p2 =	por !p2, p0  }
0x20: {  	[sflag:s8] =	ssyncset.s32 @!p0 $0xFFFFF086;
	s6 =	sadd.s32 @!p0 s3, s7;
	s7 =	simm.s32 @!p0 $0x108  }
0x21: {  	s3 =	sadd.s32 s3, s9;
	s6 =	sadd.s32 @!p0 $0x88, s6;
	s7 =	simm.s32 @p2 $0x1082  }
0x22: {  	[simem:s7], [sflag:s8] =	dma.local @!p0 [hbm:s6], $0xF7A  }
0x23: {  	s9 =	sor.u32 $0xD0000000, s2;
	s6 =	simm.s32 $0x108;
	_ =	swait.ge @!p0 [sflag:s8], $0x0  }
0x24: {  	s3 =	sadd.s32 $0x88, s3;
	s6 =	simm.s32 @!p1 $0x1082;
	[sflag:s4] =	ssyncset.s32 $0xFFFFF086  }
0x25: {  	[simem:s6], [sflag:s4] =	dma.local [hbm:s3], $0xF7A  }
0x26: {  	[smem:$0x3F9B] =	sst s1;
	(tag) =	ssettag s2;
	_ =	strace s9  }
0x27: {  	s1 =	sld [smem:$0x3FAB]  }
0x28: {  	s2 =	sld [smem:$0x3FAC]  }
0x29: {  	s4 =	sld [smem:$0x3FAE]  }
0x2a: {  	p0 =	seq.s32 s5, $0x0;
	s5 =	sld [smem:$0x3FAF]  }
0x2b: {  	s6 =	sld [smem:$0x3FB0]  }
0x2c: {  	s7 =	sld [smem:$0x3FB1]  }
0x2d: {  	s3 =	simm.s32 $0x108;
	s8 =	sld [smem:$0x3FB2]  }
0x2e: {  	s3 =	simm.s32 @!p0 $0x1082;
	s9 =	sld [smem:$0x3FB3]  }
0x2f: {  	lr =	sadd.s32 s0, s3;
	s0 =	sld [smem:$0x3FAA]  }
0x30: {  	s3 =	sld [smem:$0x3FAD]  }
0x31: {  	[smem:$0x3FB6] =	sst s10  }
0x32: {  	s10 =	sld [smem:$0x3FB4];
	_ =	sdelay $0x3  }
0x33: {  	p0 =	seq.s32 s10, $0x1;
	s10 =	sld [smem:$0x3FB6];
	_ =	sdelay $0x3  }
0x34: {  	[smem:$0x3FB6] =	sst s10  }
0x35: {  	s10 =	sld [smem:$0x3FB5];
	_ =	sdelay $0x3  }
0x36: {  	p1 =	seq.s32 s10, $0x1;
	s10 =	sld [smem:$0x3FB6];
	_ =	sdelay $0x3  }
0x37: {  	[smem:$0x3FB6] =	sst s10  }
0x38: {  	s10 =	sld [smem:$0x3FB7]  }
0x39: {  	_ = 	snop;
	(pc) =	sbr.ind lr, $3  }
0x3a: {  	_ = 	snop  }
0x3b: {  	_ = 	snop  }
0x3c: {  	p2 =	seq.s32 s10, $0x1;
	s10 =	sld [smem:$0x3FB6]  }
0x3d: {  	_ =	shalt  }
0x3e: {  	_ =	shalt  }
0x3f: {  	_ =	shalt  }
0x40: {  	_ =	shalt  }
0x41: {  	_ =	shalt  }
0x42: {  	_ =	shalt  }
0x43: {  	_ =	shalt  }
0x44: {  	_ =	shalt  }
0x45: {  	_ =	shalt  }
0x46: {  	_ =	shalt  }
0x47: {  	_ =	shalt  }
0x48: {  	_ =	shalt  }
0x49: {  	_ =	shalt  }
0x4a: {  	_ =	shalt  }
0x4b: {  	_ =	shalt  }
0x4c: {  	_ =	shalt  }
0x4d: {  	_ =	shalt  }
0x4e: {  	_ =	shalt  }
0x4f: {  	_ =	shalt  }
0x50: {  	_ =	shalt  }
0x51: {  	_ =	shalt  }
0x52: {  	_ =	shalt  }
0x53: {  	_ =	shalt  }
0x54: {  	_ =	shalt  }
0x55: {  	_ =	shalt  }
0x56: {  	_ =	shalt  }
0x57: {  	_ =	shalt  }
0x58: {  	_ =	shalt  }
0x59: {  	_ =	shalt  }
0x5a: {  	_ =	shalt  }
0x5b: {  	_ =	shalt  }
0x5c: {  	_ =	shalt  }
0x5d: {  	_ =	shalt  }
0x5e: {  	_ =	shalt  }
0x5f: {  	_ =	shalt  }
0x60: {  	_ =	shalt  }
0x61: {  	_ =	shalt  }
0x62: {  	_ =	shalt  }
0x63: {  	_ =	shalt  }
0x64: {  	_ =	shalt  }
0x65: {  	_ =	shalt  }
0x66: {  	_ =	shalt  }
0x67: {  	_ =	shalt  }
0x68: {  	_ =	shalt  }
0x69: {  	_ =	shalt  }
0x6a: {  	_ =	shalt  }
0x6b: {  	_ =	shalt  }
0x6c: {  	_ =	shalt  }
0x6d: {  	_ =	shalt  }
0x6e: {  	_ =	shalt  }
0x6f: {  	_ =	shalt  }
0x70: {  	_ =	shalt  }
0x71: {  	_ =	shalt  }
0x72: {  	_ =	shalt  }
0x73: {  	_ =	shalt  }
0x74: {  	_ =	shalt  }
0x75: {  	_ =	shalt  }
0x76: {  	_ =	shalt  }
0x77: {  	_ =	shalt  }
0x78: {  	_ =	shalt  }
0x79: {  	_ =	shalt  }
0x7a: {  	_ =	shalt  }
0x7b: {  	_ =	shalt  }
0x7c: {  	_ =	shalt  }
0x7d: {  	_ =	shalt  }
0x7e: {  	_ =	shalt  }
0x7f: {  	_ =	shalt  }
0x80: {  	_ =	shalt  }
0x81: {  	_ =	shalt  }
0x82: {  	_ =	shalt  }
0x83: {  	_ =	shalt  }
0x84: {  	_ =	shalt  }
0x85: {  	_ =	shalt  }
0x86: {  	_ =	shalt  }
0x87: {  	_ =	shalt  }
.Lfunc_end0:
.L_simem_size_0:
called_computation_lowered:
.L_overlay_start_0:
0x88: {  	s2 =	sld [smem:$0x3FD9]  }
0x89: {  	s3 =	sld [smem:$0x3FFE];
	_ =	sdelay $0x1  }
0x8a: {  	s1 =	srdreg.scid  }
0x8b: {  	s0 =	sand.u32 $0x1, s1  }
0x8c: {  	s17 =	sshll.u32 s0, $0xA;
	s2 =	sadd.s32 s3, s2  }
0x8d: {  	s2 =	sadd.s32 s2, s17  }
0x8e: {  	[smem:$0x3FC2] =	sst s2  }
0x8f: {  	_ = 	snop  }
0x90: {  	s2 =	sld [smem:$0x3FC9]  }
0x91: {  	s18 =	sld [smem:$0x3FD0];
	(tm) =	ssettm $0x1  }
0x92: {  	s4 =	sld [smem:$0x3FFB];
	_ =	sdelay $0x3  }
0x93: {  	_ =	strace s4  }
0x94: {  	s4 =	sld [smem:$0x3FFC];
	_ =	sdelay $0x3  }
0x95: {  	_ =	strace s4  }
0x96: {  	s4 =	sld [smem:$0x3FFD];
	_ =	sdelay $0x3  }
0x97: {  	_ =	strace s4  }
0x98: {  	_ =	strace $0x8FFFFFFF  }
0x99: {  	s19 =	sld [smem:$0x3FDB];
	_ =	sdelay $0x1  }
0x9a: {  	s5 =	simm.s32 $_scs_section_size  }
0x9b: {  	s6 =	simm.s32 $_size__tile_overlayer_lowered;
	s7 =	simm.s32 $_tile_overlayer_lowered  }
0x9c: {  	s22 =	simm.s32 $0x1BFF;
	s21 =	sshll.u32 s7, $0x1;
	s4 =	sadd.s32 s5, s19  }
0x9d: {  	s8 =	simm.s32 $0x0;
	s20 =	sshll.u32 s6, $0x1;
	s6 =	sadd.s32 s21, s4  }
0x9e: {  	[timem:s8], [sflag:s22] =	dma.local [hbm:s6], s20  }
0x9f: {  	_ =	swait.ge [sflag:s22], s20  }
0xa0: {  	s5 =	ssub.s32 $0x0, s20;
	[sflag:s22] =	ssyncset.done $0x0  }
0xa1: {  	[sflag:s22] =	ssyncadd.s32 s5;
	_ =	sdelay $0x1  }
0xa2: {  	s23 =	simm.s32 $0x1B8B  }
0xa3: {  	_ =	swait.ge [sflag:s23], $0x1  }
0xa4: {  	[sflag:s23] =	ssyncset.done $0x0  }
0xa5: {  	s25 =	simm.s32 $0x1B8E;
	s24 =	sld [smem:$0x3FFE];
	[sflag:s23] =	ssyncadd.s32 $0xFFFFFFFF  }
0xa6: {  	s26 =	simm.s32 $execute0_lowered;
	[smem:$0x3FD2] =	sst s25  }
0xa7: {  	s6 =	sshll.u32 s26, $0x1;
	_ =	strace $0x80000046;
	[dreg:$0x1] =	wrdreg $0xFFFFFFFF  }
0xa8: {  	s28 =	simm.s32 $_size_execute0_lowered;
	s4 =	sadd.s32 s4, s6;
	[dreg:$0x0] =	wrdreg $0x0  }
0xa9: {  	s6 =	sshll.u32 s28, $0x1;
	[dreg:$0x2] =	wrdreg s4  }
0xaa: {  	[dreg:$0x3] =	wrdreg s6  }
0xab: {  	[dreg:$0x4] =	wrdreg $0xC0  }
0xac: {  	_ =	task [dreg:s8], $0x5FFFF  }
0xad: {  	[dreg:$0x1] =	wrdreg $0xFFFFFFFF  }
0xae: {  	[dreg:$0x0] =	wrdreg $0x60  }
0xaf: {  	[dreg:$0x2] =	wrdreg s2  }
0xb0: {  	[dreg:$0x3] =	wrdreg s24  }
0xb1: {  	[dreg:$0x4] =	wrdreg s18  }
0xb2: {  	[dreg:$0x5] =	wrdreg $0xA9800  }
0xb3: {  	[dreg:$0x6] =	wrdreg $0x9  }
0xb4: {  	_ =	task.clear_ibuf [dreg:s8], $0x7FFFF;
	_ =	strace $0x90000046  }
0xb5: {  	s29 =	simm.s32 $0x9;
	_ =	strace $0x80000048  }
0xb6: {  	_ =	swait.ge [sflag:s29], $0x1  }
0xb7: {  	[sflag:s29] =	ssyncadd.s32 $0xFFFFFFFF  }
0xb8: {  	_ =	strace $0x90000048  }
0xb9: {  	_ =	sfence  }
0xba: {  	s30 =	sld [smem:$0x0];
	_ =	sdelay $0x2  }
0xbb: {  	s31 =	sshll.u32 s1, $0xD;
	s1 =	sshrl.u32 s1, $0x2  }
0xbc: {  	s3 =	sand.u32 $0x4000, s31;
	s1 =	sadd.s32 s1, s30  }
0xbd: {  	s0 =	sor.u32 s3, s0;
	s1 =	sshll.u32 s1, $0x11  }
0xbe: {  	s0 =	sor.u32 s1, s0  }
0xbf: {  	s0 =	sadd.s32 $0x8F2B, s0  }
0xc0: {  	[sflag:s0] =	ssyncadd.remote.s32 $0x1  }
0xc1: {  	_ =	sfence.sel $0xFFFF  }
0xc2: {  	[dreg:$0x0] =	wrdreg $0xFFFFFFFF;
	(pc) =	sbr.abs _section_cstart, $3  }
0xc3: {  	[dreg:$0x1] =	wrdreg $0xFFFFFFFF  }
0xc4: {  	_ =	task.clear_ibuf [dreg:s8], $0x2FFFF;
	_ =	strace $0x9FFFFFFF  }
0xc5: {  	(tm) =	ssettm $0x7FFFFFFF  }
tec
execute0_lowered:
.L_overlay_start_1:
0x0: {  	(tag) =	ssettag $0x1  }
0x1: {  	s1 =	rddreg [dreg:$0x0]  }
0x2: {  	s6 =	rddreg [dreg:$0x1]  }
0x3: {  	s9 =	rddreg [dreg:$0x2]  }
0x4: {  	s2 =	rddreg [dreg:$0x3];
	s3 =	srdreg.scid  }
0x5: {  	s0 =	rddreg [dreg:$0x4];
	s15 =	stileid.u32  }
0x6: {  	s18 =	simm.s32 $0x50;
	s19 =	simm.s32 $0x8000;
	s20 =	simm.s32 $0x8080  }
0x7: {  	s21 =	simm.s32 $0x8180;
	s22 =	simm.s32 $0x1;
	s23 =	simm.s32 $0x0  }
0x8: {  	s7 =	sand.u32 $0x1, s3;
	s3 =	simm.s32 $0x0;
	s11 =	smul.u32 $0x4E000, s15  }
0x9: {  	s4 =	sshll.u32 s15, $0xC;
	s12 =	sadd.s32 $0x21000, s6;
	s13 =	smul.u32 $0x13800, s15  }
0xa: {  	s17 =	sadd.s32 $0x138000, s2;
	p0 =	sne.s32 s15, $0x0;
	s15 =	sshll.u32 s15, $0x6  }
0xb: {  	s5 =	sshll.u32 s7, $0xB;
	[smem:$0x7FF] =	sst s3;
	s10 =	ssub.s32 $0x2, s7  }
0xc: {  	s25 =	smul.u32 $0x138800, s7;
	s15 =	sor.u32 $0x1C02, s15;
	s17 =	sshrl.u32 @!p0 s17, $0x3  }
0xd: {  	s4 =	sor.u32 s5, s4;
	_ =	strace $0x80000047;
	s5 =	sadd.s32 $0x20A00, s6  }
0xe: {  	s24 =	sshrl.u32 s10, $0x1;
	s26 =	sshrl.u32 s11, $0x2;
	s28 =	sshrl.u32 s13, $0x3  }
0xf: {  	s8 =	sadd.s32 s4, s6;
	s4 =	sadd.s32 $0x20400, s6;
	s14 =	ssub.s32 s10, s24  }
0x10: {  	s16 =	sadd.s32 s26, s2;
	s29 =	sadd.s32 s13, s25;
	s30 =	sshrl.u32 s25, $0x3  }
0x11: {  	s13 =	simm.s32 $0x2;
	s6 =	sadd.s32 $0x400, s8;
	s7 =	sadd.s32 $0x10400, s8  }
0x12: {  	s8 =	sadd.s32 s9, s28;
	s11 =	sshrl.u32 s29, $0x3;
	s9 =	sadd.s32 $0x27000, s9  }
0x13: {  	s31 =	sadd.s32 s12, s30;
	s16 =	sshrl.u32 s16, $0x3;
	s10 =	sadd.s32 s12, s11  }
0x14: {  	s11 =	sadd.s32 $0x27000, s31;
	s12 =	smax.u32 s14, $0x1;
	s14 =	simm.s32 $0x4000  }
.LBB2_1:
0x15: {  	[tilespmem:s3], [sflag:$0x2] =	stream.linear.gather [hbm4b:s6+s3], $0x3E80, $0x38;
	[tilespmem:$0x1E200] =	vst v63  }
0x16: {  	_ =	swait.ge [sflag:s13], $0x3E80  }
0x17: {  	[sflag:s13] =	ssyncset.done $0x0  }
0x18: {  	[sflag:s13] =	ssyncadd.s32 $0xFFFFC180  }
0x19: {  	[tilespmem:s14], [sflag:$0x2] =	stream.linear.gather [hbm4b:s7+s3], $0x3E80, $0x38;
	[tilespmem:$0x1E200] =	vst v63  }
0x1a: {  	_ =	swait.ge [sflag:s13], $0x3E80  }
0x1b: {  	[sflag:s13] =	ssyncset.done $0x0  }
0x1c: {  	[sflag:s13] =	ssyncadd.s32 $0xFFFFC180  }
0x1d: {  	[spmem:s16], [sflag:s15] =	dma.local [hbm:s8], $0x2700  }
0x1e: {  	_ =	swait.ge [sflag:s13], $0x2700  }
0x1f: {  	[sflag:s13] =	ssyncset.done $0x0  }
0x20: {  	s24 =	simm.s32 @!p0 $0x2;
	[sflag:s13] =	ssyncadd.s32 $0xFFFFD900  }
0x21: {  	[spmem:s17], [sflag:s15] =	dma.local @!p0 [hbm:s9], $0x100  }
0x22: {  	_ =	swait.ge @!p0 [sflag:s24], $0x100  }
0x23: {  	[sflag:s24] =	ssyncset.done @!p0 $0x0  }
0x24: {  	[sflag:s24] =	ssyncadd.s32 @!p0 $0xFFFFFF00  }
0x25: {  	s24 =	simm.s32 $0x0;
	[bflag:$0x0] =	sbarrier.arrive $0xFFFF  }
.LBB2_2:
0x26: {  	s25 =	sshll.u32 s24, $0x7  }
0x27: {  	[tilespmem:s19], [sflag:$0x1] =	stream.indirect.gather [hbm4b:s4+s18], $0x1, s25, s18, $0xb8;
	[tilespmem:$0x1E200] =	vst v63  }
0x28: {  	s26 =	sadd.s32 $0x4000, s25  }
0x29: {  	[tilespmem:s20], [sflag:$0x1] =	stream.indirect.gather [hbm4b:s5+s18], $0x1, s26, s18, $0xb8;
	[tilespmem:$0x1E200] =	vst v63  }
0x2a: {  	_ = 	snop  }
0x2b: {  	[tilespmem:s21], [sflag:$0x1] =	stream.indirect.gather [hbm4b:s1+s18], $0x80, s26, s18, $0xb8;
	[tilespmem:$0x1E200] =	vst v63  }
0x2c: {  	_ =	swait.ge [sflag:s22], $0x50  }
0x2d: {  	[sflag:s22] =	ssyncset.done $0x0  }
0x2e: {  	[sflag:s22] =	ssyncadd.s32 $0xFFFFFFB0  }
0x2f: {  	_ =	swait.ge [sflag:s22], $0x50  }
0x30: {  	[sflag:s22] =	ssyncset.done $0x0  }
0x31: {  	[sflag:s22] =	ssyncadd.s32 $0xFFFFFFB0  }
0x32: {  	v0 =	vld [tilespmem:$0x8000]  }
0x33: {  	v1 =	vld [tilespmem:$0x8080]  }
0x34: {  	v2 =	vld [tilespmem:$0x8010]  }
0x35: {  	v3 =	vld [tilespmem:$0x8090]  }
0x36: {  	v4 =	vld [tilespmem:$0x8020]  }
0x37: {  	v5 =	vld [tilespmem:$0x80A0]  }
0x38: {  	v6 =	vld [tilespmem:$0x8030]  }
0x39: {  	v7 =	vld [tilespmem:$0x80B0]  }
0x3a: {  	v8 =	vld [tilespmem:$0x8040]  }
0x3b: {  	v9 =	vld [tilespmem:$0x80C0]  }
0x3c: {  	v0 =	vadd.f32 v1, v0  }
0x3d: {  	v1 =	vadd.f32 v3, v2  }
0x3e: {  	v3 =	vadd.f32 v5, v4;
	v2 =	vmul.f32 $2.000000030e-01, v0  }
0x3f: {  	v5 =	vadd.f32 v7, v6;
	v4 =	vmul.f32 $2.000000030e-01, v1  }
0x40: {  	v6 =	vadd.f32 v9, v8;
	v0 =	vmax.f32 v0, v2;
	v2 =	vmul.f32 $2.000000030e-01, v3  }
0x41: {  	[tilespmem:$0x8100] =	vst v0;
	v0 =	vmax.f32 v1, v4;
	v1 =	vmul.f32 $2.000000030e-01, v5  }
0x42: {  	[tilespmem:$0x8110] =	vst v0;
	v0 =	vmax.f32 v3, v2;
	v2 =	vmul.f32 $2.000000030e-01, v6  }
0x43: {  	[tilespmem:$0x8120] =	vst v0;
	v0 =	vmax.f32 v5, v1  }
0x44: {  	[tilespmem:$0x8130] =	vst v0;
	v0 =	vmax.f32 v6, v2  }
0x45: {  	[tilespmem:$0x8140] =	vst v0  }
0x46: {  	_ =	swait.ge [sflag:s22], $0x2800  }
0x47: {  	[sflag:s22] =	ssyncset.done $0x0  }
0x48: {  	s26 =	simm.s32 $0x81C0;
	[sflag:s22] =	ssyncadd.s32 $0xFFFFD800  }
0x49: {  	v4 =	vld [tilespmem:s26+$0x30]  }
0x4a: {  	v7 =	vld [tilespmem:s26+$0x10]  }
0x4b: {  	s28 =	simm.s32 $0x0;
	v5 =	vld [tilespmem:s26+$0xFFFFFFC0]  }
0x4c: {  	v1 =	vld.msk [tilespmem:s28+$0x8100 ss:$0x0], $0xffff  }
0x4d: {  	v9 =	vld [tilespmem:s26+$0xFFFFFFE0]  }
0x4e: {  	v0 =	vld [tilespmem:s26+$0xFFFFFFF0]  }
0x4f: {  	v2 =	vld [tilespmem:s26+$0x20]  }
0x50: {  	v3 =	vld [tilespmem:s26+$0xFFFFFFD0]  }
0x51: {  	v8 =	vmul.f32 v4, v1;
	v4 =	vld [tilespmem:s26+$0x0]  }
0x52: {  	v6 =	vmul.f32 v5, v1  }
0x53: {  	s29 =	simm.s32 $0x81C0;
	s28 =	simm.s32 $0x4;
	v5 =	vmul.f32 v9, v1;
	v7 =	vmul.f32 v7, v1  }
.LBB2_3:
0x54: {  	p1 =	sne.s32 s28, $0x13C  }
0x55: {  	v3 =	vmul.f32 v3, v1;
	v2 =	vmul.f32 v2, v1;
	[tilespmem:s26+$0x30] =	vst v8;
	s29 =	sadd.s32 $0x80, s29;
	s30 =	smov.u32 s28;
	s28 =	sadd.s32 $0x4, s28  }
0x56: {  	[tilespmem:s26+$0xFFFFFFC0] =	vst v6;
	v6 =	vmul.f32 v0, v1;
	v1 =	vmul.f32 v4, v1  }
0x57: {  	[tilespmem:s26+$0x10] =	vst v7  }
0x58: {  	[tilespmem:s26+$0xFFFFFFE0] =	vst v5  }
0x59: {  	v0 =	vld [tilespmem:s29+$0xFFFFFFF0];
	[tilespmem:s26+$0xFFFFFFF0] =	vst v6  }
0x5a: {  	v5 =	vld [tilespmem:s29+$0x30];
	[tilespmem:s26+$0x0] =	vst v1  }
0x5b: {  	v7 =	vld [tilespmem:s29+$0x10];
	[tilespmem:s26+$0x20] =	vst v2  }
0x5c: {  	s30 =	sshra.s32 s30, $0x2;
	v6 =	vld [tilespmem:s29+$0xFFFFFFC0];
	[tilespmem:s26+$0xFFFFFFD0] =	vst v3;
	s26 =	smov.u32 s29  }
0x5d: {  	v1 =	vld.msk [tilespmem:s30+$0x8100 ss:$0x0], $0xffff  }
0x5e: {  	v9 =	vld [tilespmem:s29+$0xFFFFFFE0]  }
0x5f: {  	v2 =	vld [tilespmem:s29+$0x20]  }
.Ltmp0:
0x60: {  	v3 =	vld [tilespmem:s29+$0xFFFFFFD0];
	(pc) =	sbr.rel @p1 .LBB2_3-.Ltmp0, $3  }
0x61: {  	v4 =	vld [tilespmem:s29+$0x0];
	_ =	sdelay $0x1  }
0x62: {  	v6 =	vmul.f32 v6, v1;
	v8 =	vmul.f32 v5, v1  }
0x63: {  	v7 =	vmul.f32 v7, v1;
	v5 =	vmul.f32 v9, v1  }
0x64: {  	[tilespmem:s26+$0x30] =	vst v8  }
0x65: {  	[tilespmem:s26+$0xFFFFFFC0] =	vst v6  }
0x66: {  	v0 =	vmul.f32 v0, v1;
	[tilespmem:s26+$0x10] =	vst v7  }
0x67: {  	v2 =	vmul.f32 v2, v1;
	[tilespmem:s26+$0xFFFFFFE0] =	vst v5  }
0x68: {  	v63 =	vmul.f32 v3, v1;
	[tilespmem:s26+$0xFFFFFFF0] =	vst v0  }
0x69: {  	s24 =	sadd.s32 $0x1, s24;
	v4 =	vmul.f32 v4, v1;
	[tilespmem:s26+$0x20] =	vst v2  }
0x6a: {  	p1 =	sne.s32 s24, $0x7D;
	[tilespmem:s26+$0xFFFFFFD0] =	vst v63  }
.Ltmp1:
0x6b: {  	[tilespmem:s26+$0x0] =	vst v4;
	(pc) =	sbr.rel @p1 .LBB2_2-.Ltmp1, $4  }
0x6c: {  	[spmem:s2] =	stream.indirect.scatter.add.f32 [tilespmem:s21], [sflag:$0x2], $0x80, s25, s18, $0xb8;
	[tilespmem:$0x1E200] =	vst v63  }
0x6d: {  	_ =	swait.ge [sflag:s13], $0x2800  }
0x6e: {  	[sflag:s13] =	ssyncset.done $0x0  }
0x6f: {  	[sflag:s13] =	ssyncadd.s32 $0xFFFFD800  }
0x70: {  	[bflag:$0x0] =	sbarrier.arrive $0xFFFF  }
0x71: {  	[hbm:s10], [sflag:s15] =	dma.local [spmem:s16], $0x2700  }
0x72: {  	s23 =	sadd.s32 $0x1, s23;
	_ =	swait.ge [sflag:s13], $0x2700  }
0x73: {  	p1 =	sne.s32 s23, s12;
	[sflag:s13] =	ssyncset.done $0x0  }
.Ltmp2:
0x74: {  	s24 =	simm.s32 @!p0 $0x2;
	[sflag:s13] =	ssyncadd.s32 $0xFFFFD900;
	(pc) =	sbr.rel @p1 .LBB2_1-.Ltmp2, $4  }
0x75: {  	[hbm:s11], [sflag:s15] =	dma.local @!p0 [spmem:s17], $0x100  }
0x76: {  	_ =	swait.ge @!p0 [sflag:s24], $0x100  }
0x77: {  	[sflag:s24] =	ssyncset.done @!p0 $0x0  }
0x78: {  	[sflag:s24] =	ssyncadd.s32 @!p0 $0xFFFFFF00  }
0x79: {  	_ =	sfence.sel $0x180000  }
0x7a: {  	[bflag:$0x0] =	sbarrier.arrive $0xFFFF  }
0x7b: {  	_ =	strace $0x90000047  }
0x7c: {  	s0 =	sadd.s32 @!p0 $0x100000, s0;
	[bflag:$0x2] =	sbarrier.arrive $0xFFFF  }
0x7d: {  	[sflag:s0] =	ssyncadd.tile.s32 @!p0 $0x1;
	_ =	shalt  }
.Lfunc_end2:
_tile_overlayer_lowered:
.L_overlay_start_2:
0x7e: {  	(tag) =	ssettag $0x2  }
0x7f: {  	s0 =	rddreg [dreg:$0x0];
	s2 =	stileid.u32  }
0x80: {  	s1 =	rddreg [dreg:$0x1];
	p0 =	sne.s32 s2, $0x0  }
0x81: {  	s3 =	rddreg [dreg:$0x2];
	[bflag:$0x3] =	sbarrier.arrive $0xFFFF;
	s2 =	simm.s32 @!p0 $0x1C02  }
0x82: {  	[timem:s3], [sflag:s2] =	dma.local @!p0 [hbm:s0], s1  }
0x83: {  	s0 =	simm.s32 @!p0 $0x2  }
0x84: {  	_ =	swait.ge @!p0 [sflag:s0], s1  }
0x85: {  	s1 =	ssub.s32 @!p0 $0x0, s1;
	[sflag:s0] =	ssyncset.done @!p0 $0x0  }
0x86: {  	[sflag:s0] =	ssyncadd.s32 @!p0 s1  }
0x87: {  	[bflag:$0x3] =	sbarrier.arrive $0xFFFF  }
0x88: {  	_ =	shalt  }

</sc_bundles>
